<compile_context>
chip_gen: v7x
topology: tpu7x:2x2x1
jax: 0.10.2.dev20260603
libtpu: 0.0.44.dev20260713+nightly
codegen_flags: <defaults>
</compile_context>

<pallas_src>
import functools

import jax
import jax.numpy as jnp
from jax import lax
from jax.experimental import pallas as pl
from jax.experimental.pallas import tpu as pltpu
from jax.experimental.pallas import tpu_sc as plsc

_NW = 32
_XR = 400
_XCH = 25
_ER = 2000
_EPW = 5

_mesh = plsc.VectorSubcoreMesh(core_axis_name="c", subcore_axis_name="s")


@functools.partial(
    pl.kernel,
    out_type=(
        jax.ShapeDtypeStruct((10000, 128), jnp.float32),
        jax.ShapeDtypeStruct((320000, 16), jnp.float32),
    ),
    mesh=_mesh,
    scratch_types=[
        pltpu.MemorySpace.VMEM((_XR, 128), jnp.float32),
        pltpu.MemorySpace.VMEM((_ER, 16), jnp.float32),
    ],
    compiler_params=pltpu.CompilerParams(use_tc_tiling_on_sc=False),
)
def _copy_sc(x_hbm, ea_hbm, xo_hbm, eo_hbm, xbuf, ebuf):
    wid = lax.axis_index("s") * 2 + lax.axis_index("c")

    @pl.when(wid < _XCH)
    def _():
        base = pl.multiple_of(wid * _XR, 8)
        pltpu.sync_copy(x_hbm.at[pl.ds(base, _XR), :], xbuf)
        pltpu.sync_copy(xbuf, xo_hbm.at[pl.ds(base, _XR), :])

    for j in range(_EPW):
        base = pl.multiple_of((wid + _NW * j) * _ER, 8)
        pltpu.sync_copy(ea_hbm.at[pl.ds(base, _ER), :], ebuf)
        pltpu.sync_copy(ebuf, eo_hbm.at[pl.ds(base, _ER), :])


def kernel(x, edge_index, edge_attr):
    x_out, ea_out = _copy_sc(x, edge_attr)
    return (x_out, ea_out)

# --- scband reference (transcript-rebuilt; emitter-appended) ---
"""Pipeline reference for scband-meta-layer-24472723652625 (READ-ONLY COPY).

The authoritative reference and input builder live on the scoring server;
editing this copy changes nothing except your own understanding.
"""

import jax, jax.numpy as jnp
import numpy as np

N_NODES = 10000
N_EDGES = 320000
D_FEAT = 128
D_EDGE = 16


def setup_inputs(seed: int = 0) -> dict:
    key = jax.random.key(seed)
    k1, k2, k3 = jax.random.split(key, 3)
    x = jax.random.normal(k1, (N_NODES, D_FEAT), dtype=jnp.float32)
    edge_index = jax.random.randint(k2, (2, N_EDGES), 0, N_NODES)
    edge_attr = jax.random.normal(k3, (N_EDGES, D_EDGE), dtype=jnp.float32)
    return {"x": x, "edge_index": edge_index, "edge_attr": edge_attr}


def reference(x, edge_index, edge_attr):
    # MetaLayer with edge_model=None, node_model=None, global_model=None.
    # Faithful translation of forward: unpack row/col, skip all three model
    # branches (all None), and return (x, edge_attr, u) with u=None dropped.
    row, col = edge_index[0], edge_index[1]
    # edge_model is None -> edge_attr unchanged
    # node_model is None -> x unchanged
    # global_model is None -> u stays None
    return (x, edge_attr)

if __name__ == "__main__":
    import jax
    _d = setup_inputs()
    print(jax.jit(kernel)(*tuple(_d.values())))

</pallas_src>

<mosaic_0001>
#map = affine_map<(d0, d1) -> (0, 0)>
module attributes {stable_mosaic.version = 14 : i64} {
  func.func @_copy_sc(%arg0: i32, %arg1: i32, %arg2: memref<10000x128xf32, #tpu.memory_space<hbm>>, %arg3: memref<320000x16xf32, #tpu.memory_space<hbm>>, %arg4: memref<10000x128xf32, #tpu.memory_space<hbm>>, %arg5: memref<320000x16xf32, #tpu.memory_space<hbm>>, %arg6: memref<400x128xf32, #tpu.memory_space<vmem>>, %arg7: memref<2000x16xf32, #tpu.memory_space<vmem>>) attributes {dimension_semantics = [#tpu.dimension_semantics<core_parallel>, #tpu.dimension_semantics<subcore_parallel>], iteration_bounds = array<i64: 2, 16>, scalar_prefetch = 0 : i64, scratch_operands = 2 : i64, tpu.core_type = #tpu.core_type<sc_vector_subcore>, window_params = [{transform_indices = #map}, {transform_indices = #map}, {transform_indices = #map}, {transform_indices = #map}]} {
    %mul3A = arith.constant 2 : i32
    %mul3A_0 = arith.muli %arg1, %mul3A : i32
    %add3A = arith.addi %mul3A_0, %arg0 : i32
    %lt3A = arith.constant 25 : i32
    %lt3A_1 = arith.cmpi slt, %add3A, %lt3A : i32
    %convert_element_type3A = arith.extui %lt3A_1 : i1 to i32
    %cond3A = arith.constant 0 : i32
    %cond3A_2 = arith.cmpi ne, %convert_element_type3A, %cond3A : i32
    scf.if %cond3A_2 {
      %mul3A_27 = arith.constant 400 : i32
      %mul3A_28 = arith.muli %add3A, %mul3A_27 : i32
      %multiple_of3A_29 = tpu.assume_multiple %mul3A_28, 8 : i32
      "tpu.region"() ({
        %run_scoped3A = tpu.sem_alloc : memref<!tpu.dma_semaphore, #tpu.memory_space<semaphore_mem>>
        %dma_start3A = arith.constant 0 : i32
        %dma_start3A_30 = tpu.memref_slice %arg2[%multiple_of3A_29, %dma_start3A] : memref<10000x128xf32, #tpu.memory_space<hbm>> -> memref<400x128xf32, #tpu.memory_space<hbm>>
        %dma_start3A_31 = arith.constant 0 : i32
        %dma_start3A_32 = tpu.memref_slice %arg2[%multiple_of3A_29, %dma_start3A_31] : memref<10000x128xf32, #tpu.memory_space<hbm>> -> memref<400x128xf32, #tpu.memory_space<hbm>>
        tpu.enqueue_dma source(%dma_start3A_32 : memref<400x128xf32, #tpu.memory_space<hbm>>) target(%arg6 : memref<400x128xf32, #tpu.memory_space<vmem>>) target_semaphore(%run_scoped3A : memref<!tpu.dma_semaphore, #tpu.memory_space<semaphore_mem>>)
        %dma_wait3A = arith.constant 0 : i32
        %dma_wait3A_33 = tpu.memref_slice %arg2[%multiple_of3A_29, %dma_wait3A] : memref<10000x128xf32, #tpu.memory_space<hbm>> -> memref<400x128xf32, #tpu.memory_space<hbm>>
        %dma_wait3A_34 = arith.constant 0 : i32
        %dma_wait3A_35 = tpu.memref_slice %arg2[%multiple_of3A_29, %dma_wait3A_34] : memref<10000x128xf32, #tpu.memory_space<hbm>> -> memref<400x128xf32, #tpu.memory_space<hbm>>
        tpu.wait_dma2 semaphore(%run_scoped3A : memref<!tpu.dma_semaphore, #tpu.memory_space<semaphore_mem>>) src(%dma_wait3A_35 : memref<400x128xf32, #tpu.memory_space<hbm>>) dst(%arg6 : memref<400x128xf32, #tpu.memory_space<vmem>>)
        tpu.yield
      }) : () -> ()
      "tpu.region"() ({
        %run_scoped3A = tpu.sem_alloc : memref<!tpu.dma_semaphore, #tpu.memory_space<semaphore_mem>>
        %dma_start3A = arith.constant 0 : i32
        %dma_start3A_30 = tpu.memref_slice %arg4[%multiple_of3A_29, %dma_start3A] : memref<10000x128xf32, #tpu.memory_space<hbm>> -> memref<400x128xf32, #tpu.memory_space<hbm>>
        %dma_start3A_31 = arith.constant 0 : i32
        %dma_start3A_32 = tpu.memref_slice %arg4[%multiple_of3A_29, %dma_start3A_31] : memref<10000x128xf32, #tpu.memory_space<hbm>> -> memref<400x128xf32, #tpu.memory_space<hbm>>
        tpu.enqueue_dma source(%arg6 : memref<400x128xf32, #tpu.memory_space<vmem>>) target(%dma_start3A_32 : memref<400x128xf32, #tpu.memory_space<hbm>>) target_semaphore(%run_scoped3A : memref<!tpu.dma_semaphore, #tpu.memory_space<semaphore_mem>>)
        %dma_wait3A = arith.constant 0 : i32
        %dma_wait3A_33 = tpu.memref_slice %arg4[%multiple_of3A_29, %dma_wait3A] : memref<10000x128xf32, #tpu.memory_space<hbm>> -> memref<400x128xf32, #tpu.memory_space<hbm>>
        %dma_wait3A_34 = arith.constant 0 : i32
        %dma_wait3A_35 = tpu.memref_slice %arg4[%multiple_of3A_29, %dma_wait3A_34] : memref<10000x128xf32, #tpu.memory_space<hbm>> -> memref<400x128xf32, #tpu.memory_space<hbm>>
        tpu.wait_dma2 semaphore(%run_scoped3A : memref<!tpu.dma_semaphore, #tpu.memory_space<semaphore_mem>>) src(%arg6 : memref<400x128xf32, #tpu.memory_space<vmem>>) dst(%dma_wait3A_35 : memref<400x128xf32, #tpu.memory_space<hbm>>)
        tpu.yield
      }) : () -> ()
    } else {
    }
    %add3A_3 = arith.constant 0 : i32
    %add3A_4 = arith.addi %add3A, %add3A_3 : i32
    %mul3A_5 = arith.constant 2000 : i32
    %mul3A_6 = arith.muli %add3A_4, %mul3A_5 : i32
    %multiple_of3A = tpu.assume_multiple %mul3A_6, 8 : i32
    "tpu.region"() ({
      %run_scoped3A = tpu.sem_alloc : memref<!tpu.dma_semaphore, #tpu.memory_space<semaphore_mem>>
      %dma_start3A = arith.constant 0 : i32
      %dma_start3A_27 = tpu.memref_slice %arg3[%multiple_of3A, %dma_start3A] : memref<320000x16xf32, #tpu.memory_space<hbm>> -> memref<2000x16xf32, #tpu.memory_space<hbm>>
      %dma_start3A_28 = arith.constant 0 : i32
      %dma_start3A_29 = tpu.memref_slice %arg3[%multiple_of3A, %dma_start3A_28] : memref<320000x16xf32, #tpu.memory_space<hbm>> -> memref<2000x16xf32, #tpu.memory_space<hbm>>
      tpu.enqueue_dma source(%dma_start3A_29 : memref<2000x16xf32, #tpu.memory_space<hbm>>) target(%arg7 : memref<2000x16xf32, #tpu.memory_space<vmem>>) target_semaphore(%run_scoped3A : memref<!tpu.dma_semaphore, #tpu.memory_space<semaphore_mem>>)
      %dma_wait3A = arith.constant 0 : i32
      %dma_wait3A_30 = tpu.memref_slice %arg3[%multiple_of3A, %dma_wait3A] : memref<320000x16xf32, #tpu.memory_space<hbm>> -> memref<2000x16xf32, #tpu.memory_space<hbm>>
      %dma_wait3A_31 = arith.constant 0 : i32
      %dma_wait3A_32 = tpu.memref_slice %arg3[%multiple_of3A, %dma_wait3A_31] : memref<320000x16xf32, #tpu.memory_space<hbm>> -> memref<2000x16xf32, #tpu.memory_space<hbm>>
      tpu.wait_dma2 semaphore(%run_scoped3A : memref<!tpu.dma_semaphore, #tpu.memory_space<semaphore_mem>>) src(%dma_wait3A_32 : memref<2000x16xf32, #tpu.memory_space<hbm>>) dst(%arg7 : memref<2000x16xf32, #tpu.memory_space<vmem>>)
      tpu.yield
    }) : () -> ()
    "tpu.region"() ({
      %run_scoped3A = tpu.sem_alloc : memref<!tpu.dma_semaphore, #tpu.memory_space<semaphore_mem>>
      %dma_start3A = arith.constant 0 : i32
      %dma_start3A_27 = tpu.memref_slice %arg5[%multiple_of3A, %dma_start3A] : memref<320000x16xf32, #tpu.memory_space<hbm>> -> memref<2000x16xf32, #tpu.memory_space<hbm>>
      %dma_start3A_28 = arith.constant 0 : i32
      %dma_start3A_29 = tpu.memref_slice %arg5[%multiple_of3A, %dma_start3A_28] : memref<320000x16xf32, #tpu.memory_space<hbm>> -> memref<2000x16xf32, #tpu.memory_space<hbm>>
      tpu.enqueue_dma source(%arg7 : memref<2000x16xf32, #tpu.memory_space<vmem>>) target(%dma_start3A_29 : memref<2000x16xf32, #tpu.memory_space<hbm>>) target_semaphore(%run_scoped3A : memref<!tpu.dma_semaphore, #tpu.memory_space<semaphore_mem>>)
      %dma_wait3A = arith.constant 0 : i32
      %dma_wait3A_30 = tpu.memref_slice %arg5[%multiple_of3A, %dma_wait3A] : memref<320000x16xf32, #tpu.memory_space<hbm>> -> memref<2000x16xf32, #tpu.memory_space<hbm>>
      %dma_wait3A_31 = arith.constant 0 : i32
      %dma_wait3A_32 = tpu.memref_slice %arg5[%multiple_of3A, %dma_wait3A_31] : memref<320000x16xf32, #tpu.memory_space<hbm>> -> memref<2000x16xf32, #tpu.memory_space<hbm>>
      tpu.wait_dma2 semaphore(%run_scoped3A : memref<!tpu.dma_semaphore, #tpu.memory_space<semaphore_mem>>) src(%arg7 : memref<2000x16xf32, #tpu.memory_space<vmem>>) dst(%dma_wait3A_32 : memref<2000x16xf32, #tpu.memory_space<hbm>>)
      tpu.yield
    }) : () -> ()
    %add3A_7 = arith.constant 32 : i32
    %add3A_8 = arith.addi %add3A, %add3A_7 : i32
    %mul3A_9 = arith.constant 2000 : i32
    %mul3A_10 = arith.muli %add3A_8, %mul3A_9 : i32
    %multiple_of3A_11 = tpu.assume_multiple %mul3A_10, 8 : i32
    "tpu.region"() ({
      %run_scoped3A = tpu.sem_alloc : memref<!tpu.dma_semaphore, #tpu.memory_space<semaphore_mem>>
      %dma_start3A = arith.constant 0 : i32
      %dma_start3A_27 = tpu.memref_slice %arg3[%multiple_of3A_11, %dma_start3A] : memref<320000x16xf32, #tpu.memory_space<hbm>> -> memref<2000x16xf32, #tpu.memory_space<hbm>>
      %dma_start3A_28 = arith.constant 0 : i32
      %dma_start3A_29 = tpu.memref_slice %arg3[%multiple_of3A_11, %dma_start3A_28] : memref<320000x16xf32, #tpu.memory_space<hbm>> -> memref<2000x16xf32, #tpu.memory_space<hbm>>
      tpu.enqueue_dma source(%dma_start3A_29 : memref<2000x16xf32, #tpu.memory_space<hbm>>) target(%arg7 : memref<2000x16xf32, #tpu.memory_space<vmem>>) target_semaphore(%run_scoped3A : memref<!tpu.dma_semaphore, #tpu.memory_space<semaphore_mem>>)
      %dma_wait3A = arith.constant 0 : i32
      %dma_wait3A_30 = tpu.memref_slice %arg3[%multiple_of3A_11, %dma_wait3A] : memref<320000x16xf32, #tpu.memory_space<hbm>> -> memref<2000x16xf32, #tpu.memory_space<hbm>>
      %dma_wait3A_31 = arith.constant 0 : i32
      %dma_wait3A_32 = tpu.memref_slice %arg3[%multiple_of3A_11, %dma_wait3A_31] : memref<320000x16xf32, #tpu.memory_space<hbm>> -> memref<2000x16xf32, #tpu.memory_space<hbm>>
      tpu.wait_dma2 semaphore(%run_scoped3A : memref<!tpu.dma_semaphore, #tpu.memory_space<semaphore_mem>>) src(%dma_wait3A_32 : memref<2000x16xf32, #tpu.memory_space<hbm>>) dst(%arg7 : memref<2000x16xf32, #tpu.memory_space<vmem>>)
      tpu.yield
    }) : () -> ()
    "tpu.region"() ({
      %run_scoped3A = tpu.sem_alloc : memref<!tpu.dma_semaphore, #tpu.memory_space<semaphore_mem>>
      %dma_start3A = arith.constant 0 : i32
      %dma_start3A_27 = tpu.memref_slice %arg5[%multiple_of3A_11, %dma_start3A] : memref<320000x16xf32, #tpu.memory_space<hbm>> -> memref<2000x16xf32, #tpu.memory_space<hbm>>
      %dma_start3A_28 = arith.constant 0 : i32
      %dma_start3A_29 = tpu.memref_slice %arg5[%multiple_of3A_11, %dma_start3A_28] : memref<320000x16xf32, #tpu.memory_space<hbm>> -> memref<2000x16xf32, #tpu.memory_space<hbm>>
      tpu.enqueue_dma source(%arg7 : memref<2000x16xf32, #tpu.memory_space<vmem>>) target(%dma_start3A_29 : memref<2000x16xf32, #tpu.memory_space<hbm>>) target_semaphore(%run_scoped3A : memref<!tpu.dma_semaphore, #tpu.memory_space<semaphore_mem>>)
      %dma_wait3A = arith.constant 0 : i32
      %dma_wait3A_30 = tpu.memref_slice %arg5[%multiple_of3A_11, %dma_wait3A] : memref<320000x16xf32, #tpu.memory_space<hbm>> -> memref<2000x16xf32, #tpu.memory_space<hbm>>
      %dma_wait3A_31 = arith.constant 0 : i32
      %dma_wait3A_32 = tpu.memref_slice %arg5[%multiple_of3A_11, %dma_wait3A_31] : memref<320000x16xf32, #tpu.memory_space<hbm>> -> memref<2000x16xf32, #tpu.memory_space<hbm>>
      tpu.wait_dma2 semaphore(%run_scoped3A : memref<!tpu.dma_semaphore, #tpu.memory_space<semaphore_mem>>) src(%arg7 : memref<2000x16xf32, #tpu.memory_space<vmem>>) dst(%dma_wait3A_32 : memref<2000x16xf32, #tpu.memory_space<hbm>>)
      tpu.yield
    }) : () -> ()
    %add3A_12 = arith.constant 64 : i32
    %add3A_13 = arith.addi %add3A, %add3A_12 : i32
    %mul3A_14 = arith.constant 2000 : i32
    %mul3A_15 = arith.muli %add3A_13, %mul3A_14 : i32
    %multiple_of3A_16 = tpu.assume_multiple %mul3A_15, 8 : i32
    "tpu.region"() ({
      %run_scoped3A = tpu.sem_alloc : memref<!tpu.dma_semaphore, #tpu.memory_space<semaphore_mem>>
      %dma_start3A = arith.constant 0 : i32
      %dma_start3A_27 = tpu.memref_slice %arg3[%multiple_of3A_16, %dma_start3A] : memref<320000x16xf32, #tpu.memory_space<hbm>> -> memref<2000x16xf32, #tpu.memory_space<hbm>>
      %dma_start3A_28 = arith.constant 0 : i32
      %dma_start3A_29 = tpu.memref_slice %arg3[%multiple_of3A_16, %dma_start3A_28] : memref<320000x16xf32, #tpu.memory_space<hbm>> -> memref<2000x16xf32, #tpu.memory_space<hbm>>
      tpu.enqueue_dma source(%dma_start3A_29 : memref<2000x16xf32, #tpu.memory_space<hbm>>) target(%arg7 : memref<2000x16xf32, #tpu.memory_space<vmem>>) target_semaphore(%run_scoped3A : memref<!tpu.dma_semaphore, #tpu.memory_space<semaphore_mem>>)
      %dma_wait3A = arith.constant 0 : i32
      %dma_wait3A_30 = tpu.memref_slice %arg3[%multiple_of3A_16, %dma_wait3A] : memref<320000x16xf32, #tpu.memory_space<hbm>> -> memref<2000x16xf32, #tpu.memory_space<hbm>>
      %dma_wait3A_31 = arith.constant 0 : i32
      %dma_wait3A_32 = tpu.memref_slice %arg3[%multiple_of3A_16, %dma_wait3A_31] : memref<320000x16xf32, #tpu.memory_space<hbm>> -> memref<2000x16xf32, #tpu.memory_space<hbm>>
      tpu.wait_dma2 semaphore(%run_scoped3A : memref<!tpu.dma_semaphore, #tpu.memory_space<semaphore_mem>>) src(%dma_wait3A_32 : memref<2000x16xf32, #tpu.memory_space<hbm>>) dst(%arg7 : memref<2000x16xf32, #tpu.memory_space<vmem>>)
      tpu.yield
    }) : () -> ()
    "tpu.region"() ({
      %run_scoped3A = tpu.sem_alloc : memref<!tpu.dma_semaphore, #tpu.memory_space<semaphore_mem>>
      %dma_start3A = arith.constant 0 : i32
      %dma_start3A_27 = tpu.memref_slice %arg5[%multiple_of3A_16, %dma_start3A] : memref<320000x16xf32, #tpu.memory_space<hbm>> -> memref<2000x16xf32, #tpu.memory_space<hbm>>
      %dma_start3A_28 = arith.constant 0 : i32
      %dma_start3A_29 = tpu.memref_slice %arg5[%multiple_of3A_16, %dma_start3A_28] : memref<320000x16xf32, #tpu.memory_space<hbm>> -> memref<2000x16xf32, #tpu.memory_space<hbm>>
      tpu.enqueue_dma source(%arg7 : memref<2000x16xf32, #tpu.memory_space<vmem>>) target(%dma_start3A_29 : memref<2000x16xf32, #tpu.memory_space<hbm>>) target_semaphore(%run_scoped3A : memref<!tpu.dma_semaphore, #tpu.memory_space<semaphore_mem>>)
      %dma_wait3A = arith.constant 0 : i32
      %dma_wait3A_30 = tpu.memref_slice %arg5[%multiple_of3A_16, %dma_wait3A] : memref<320000x16xf32, #tpu.memory_space<hbm>> -> memref<2000x16xf32, #tpu.memory_space<hbm>>
      %dma_wait3A_31 = arith.constant 0 : i32
      %dma_wait3A_32 = tpu.memref_slice %arg5[%multiple_of3A_16, %dma_wait3A_31] : memref<320000x16xf32, #tpu.memory_space<hbm>> -> memref<2000x16xf32, #tpu.memory_space<hbm>>
      tpu.wait_dma2 semaphore(%run_scoped3A : memref<!tpu.dma_semaphore, #tpu.memory_space<semaphore_mem>>) src(%arg7 : memref<2000x16xf32, #tpu.memory_space<vmem>>) dst(%dma_wait3A_32 : memref<2000x16xf32, #tpu.memory_space<hbm>>)
      tpu.yield
    }) : () -> ()
    %add3A_17 = arith.constant 96 : i32
    %add3A_18 = arith.addi %add3A, %add3A_17 : i32
    %mul3A_19 = arith.constant 2000 : i32
    %mul3A_20 = arith.muli %add3A_18, %mul3A_19 : i32
    %multiple_of3A_21 = tpu.assume_multiple %mul3A_20, 8 : i32
    "tpu.region"() ({
      %run_scoped3A = tpu.sem_alloc : memref<!tpu.dma_semaphore, #tpu.memory_space<semaphore_mem>>
      %dma_start3A = arith.constant 0 : i32
      %dma_start3A_27 = tpu.memref_slice %arg3[%multiple_of3A_21, %dma_start3A] : memref<320000x16xf32, #tpu.memory_space<hbm>> -> memref<2000x16xf32, #tpu.memory_space<hbm>>
      %dma_start3A_28 = arith.constant 0 : i32
      %dma_start3A_29 = tpu.memref_slice %arg3[%multiple_of3A_21, %dma_start3A_28] : memref<320000x16xf32, #tpu.memory_space<hbm>> -> memref<2000x16xf32, #tpu.memory_space<hbm>>
      tpu.enqueue_dma source(%dma_start3A_29 : memref<2000x16xf32, #tpu.memory_space<hbm>>) target(%arg7 : memref<2000x16xf32, #tpu.memory_space<vmem>>) target_semaphore(%run_scoped3A : memref<!tpu.dma_semaphore, #tpu.memory_space<semaphore_mem>>)
      %dma_wait3A = arith.constant 0 : i32
      %dma_wait3A_30 = tpu.memref_slice %arg3[%multiple_of3A_21, %dma_wait3A] : memref<320000x16xf32, #tpu.memory_space<hbm>> -> memref<2000x16xf32, #tpu.memory_space<hbm>>
      %dma_wait3A_31 = arith.constant 0 : i32
      %dma_wait3A_32 = tpu.memref_slice %arg3[%multiple_of3A_21, %dma_wait3A_31] : memref<320000x16xf32, #tpu.memory_space<hbm>> -> memref<2000x16xf32, #tpu.memory_space<hbm>>
      tpu.wait_dma2 semaphore(%run_scoped3A : memref<!tpu.dma_semaphore, #tpu.memory_space<semaphore_mem>>) src(%dma_wait3A_32 : memref<2000x16xf32, #tpu.memory_space<hbm>>) dst(%arg7 : memref<2000x16xf32, #tpu.memory_space<vmem>>)
      tpu.yield
    }) : () -> ()
    "tpu.region"() ({
      %run_scoped3A = tpu.sem_alloc : memref<!tpu.dma_semaphore, #tpu.memory_space<semaphore_mem>>
      %dma_start3A = arith.constant 0 : i32
      %dma_start3A_27 = tpu.memref_slice %arg5[%multiple_of3A_21, %dma_start3A] : memref<320000x16xf32, #tpu.memory_space<hbm>> -> memref<2000x16xf32, #tpu.memory_space<hbm>>
      %dma_start3A_28 = arith.constant 0 : i32
      %dma_start3A_29 = tpu.memref_slice %arg5[%multiple_of3A_21, %dma_start3A_28] : memref<320000x16xf32, #tpu.memory_space<hbm>> -> memref<2000x16xf32, #tpu.memory_space<hbm>>
      tpu.enqueue_dma source(%arg7 : memref<2000x16xf32, #tpu.memory_space<vmem>>) target(%dma_start3A_29 : memref<2000x16xf32, #tpu.memory_space<hbm>>) target_semaphore(%run_scoped3A : memref<!tpu.dma_semaphore, #tpu.memory_space<semaphore_mem>>)
      %dma_wait3A = arith.constant 0 : i32
      %dma_wait3A_30 = tpu.memref_slice %arg5[%multiple_of3A_21, %dma_wait3A] : memref<320000x16xf32, #tpu.memory_space<hbm>> -> memref<2000x16xf32, #tpu.memory_space<hbm>>
      %dma_wait3A_31 = arith.constant 0 : i32
      %dma_wait3A_32 = tpu.memref_slice %arg5[%multiple_of3A_21, %dma_wait3A_31] : memref<320000x16xf32, #tpu.memory_space<hbm>> -> memref<2000x16xf32, #tpu.memory_space<hbm>>
      tpu.wait_dma2 semaphore(%run_scoped3A : memref<!tpu.dma_semaphore, #tpu.memory_space<semaphore_mem>>) src(%arg7 : memref<2000x16xf32, #tpu.memory_space<vmem>>) dst(%dma_wait3A_32 : memref<2000x16xf32, #tpu.memory_space<hbm>>)
      tpu.yield
    }) : () -> ()
    %add3A_22 = arith.constant 128 : i32
    %add3A_23 = arith.addi %add3A, %add3A_22 : i32
    %mul3A_24 = arith.constant 2000 : i32
    %mul3A_25 = arith.muli %add3A_23, %mul3A_24 : i32
    %multiple_of3A_26 = tpu.assume_multiple %mul3A_25, 8 : i32
    "tpu.region"() ({
      %run_scoped3A = tpu.sem_alloc : memref<!tpu.dma_semaphore, #tpu.memory_space<semaphore_mem>>
      %dma_start3A = arith.constant 0 : i32
      %dma_start3A_27 = tpu.memref_slice %arg3[%multiple_of3A_26, %dma_start3A] : memref<320000x16xf32, #tpu.memory_space<hbm>> -> memref<2000x16xf32, #tpu.memory_space<hbm>>
      %dma_start3A_28 = arith.constant 0 : i32
      %dma_start3A_29 = tpu.memref_slice %arg3[%multiple_of3A_26, %dma_start3A_28] : memref<320000x16xf32, #tpu.memory_space<hbm>> -> memref<2000x16xf32, #tpu.memory_space<hbm>>
      tpu.enqueue_dma source(%dma_start3A_29 : memref<2000x16xf32, #tpu.memory_space<hbm>>) target(%arg7 : memref<2000x16xf32, #tpu.memory_space<vmem>>) target_semaphore(%run_scoped3A : memref<!tpu.dma_semaphore, #tpu.memory_space<semaphore_mem>>)
      %dma_wait3A = arith.constant 0 : i32
      %dma_wait3A_30 = tpu.memref_slice %arg3[%multiple_of3A_26, %dma_wait3A] : memref<320000x16xf32, #tpu.memory_space<hbm>> -> memref<2000x16xf32, #tpu.memory_space<hbm>>
      %dma_wait3A_31 = arith.constant 0 : i32
      %dma_wait3A_32 = tpu.memref_slice %arg3[%multiple_of3A_26, %dma_wait3A_31] : memref<320000x16xf32, #tpu.memory_space<hbm>> -> memref<2000x16xf32, #tpu.memory_space<hbm>>
      tpu.wait_dma2 semaphore(%run_scoped3A : memref<!tpu.dma_semaphore, #tpu.memory_space<semaphore_mem>>) src(%dma_wait3A_32 : memref<2000x16xf32, #tpu.memory_space<hbm>>) dst(%arg7 : memref<2000x16xf32, #tpu.memory_space<vmem>>)
      tpu.yield
    }) : () -> ()
    "tpu.region"() ({
      %run_scoped3A = tpu.sem_alloc : memref<!tpu.dma_semaphore, #tpu.memory_space<semaphore_mem>>
      %dma_start3A = arith.constant 0 : i32
      %dma_start3A_27 = tpu.memref_slice %arg5[%multiple_of3A_26, %dma_start3A] : memref<320000x16xf32, #tpu.memory_space<hbm>> -> memref<2000x16xf32, #tpu.memory_space<hbm>>
      %dma_start3A_28 = arith.constant 0 : i32
      %dma_start3A_29 = tpu.memref_slice %arg5[%multiple_of3A_26, %dma_start3A_28] : memref<320000x16xf32, #tpu.memory_space<hbm>> -> memref<2000x16xf32, #tpu.memory_space<hbm>>
      tpu.enqueue_dma source(%arg7 : memref<2000x16xf32, #tpu.memory_space<vmem>>) target(%dma_start3A_29 : memref<2000x16xf32, #tpu.memory_space<hbm>>) target_semaphore(%run_scoped3A : memref<!tpu.dma_semaphore, #tpu.memory_space<semaphore_mem>>)
      %dma_wait3A = arith.constant 0 : i32
      %dma_wait3A_30 = tpu.memref_slice %arg5[%multiple_of3A_26, %dma_wait3A] : memref<320000x16xf32, #tpu.memory_space<hbm>> -> memref<2000x16xf32, #tpu.memory_space<hbm>>
      %dma_wait3A_31 = arith.constant 0 : i32
      %dma_wait3A_32 = tpu.memref_slice %arg5[%multiple_of3A_26, %dma_wait3A_31] : memref<320000x16xf32, #tpu.memory_space<hbm>> -> memref<2000x16xf32, #tpu.memory_space<hbm>>
      tpu.wait_dma2 semaphore(%run_scoped3A : memref<!tpu.dma_semaphore, #tpu.memory_space<semaphore_mem>>) src(%arg7 : memref<2000x16xf32, #tpu.memory_space<vmem>>) dst(%dma_wait3A_32 : memref<2000x16xf32, #tpu.memory_space<hbm>>)
      tpu.yield
    }) : () -> ()
    return
  }
}

</mosaic_0001>

<sc_bundles>
// kernel: kernel.3.cloned.1.call-start
scs
__scs_entry_jumppad:
0x0: {  	(pc) =	sbr.rel $0x88, $3  }
0x1: {  	(tag) =	ssettag $0x0;
	lr =	simm.s32 $0x1  }
0x2: {  	[smem:$0x3F9F] =	sst lr;
	_ =	strace $0xD0000000  }
0x3: {  	_ = 	snop  }
0x4: {  	_ = 	snop  }
0x5: {  	_ = 	snop  }
0x6: {  	_ = 	snop  }
0x7: {  	_ = 	snop  }
__scs_overlays_trampoline_lowered:
0x8: {  	[smem:$0x3FAE] =	sst s0  }
0x9: {  	[smem:$0x3FAF] =	sst s1  }
0xa: {  	[smem:$0x3FB0] =	sst s2  }
0xb: {  	[smem:$0x3FB1] =	sst s3  }
0xc: {  	[smem:$0x3FB2] =	sst s4  }
0xd: {  	[smem:$0x3FB3] =	sst s5  }
0xe: {  	[smem:$0x3FB4] =	sst s6  }
0xf: {  	[smem:$0x3FB5] =	sst s7  }
0x10: {  	[smem:$0x3FB6] =	sst s8  }
0x11: {  	[smem:$0x3FB7] =	sst s9;
	s0 =	simm.s32 @!p0 $0x0  }
0x12: {  	s1 =	sld [smem:$0x3F9D];
	s0 =	simm.s32 @p0 $0x1  }
0x13: {  	[smem:$0x3FB8] =	sst s0;
	s0 =	simm.s32 @!p1 $0x0  }
0x14: {  	s2 =	sld [smem:$0x3F9C];
	s0 =	simm.s32 @p1 $0x1  }
0x15: {  	[smem:$0x3FB9] =	sst s0;
	s0 =	simm.s32 @!p2 $0x0  }
0x16: {  	s3 =	sld [smem:$0x3FDB];
	s0 =	simm.s32 @p2 $0x1  }
0x17: {  	s4 =	simm.s32 $0x1BF5;
	[smem:$0x3FBB] =	sst s0  }
0x18: {  	s0 =	sld [smem:$0x3F9E];
	_ =	swait.ge [sflag:s4], $0x0  }
0x19: {  	s7 =	sld [smem:$0x3F9F]  }
0x1a: {  	s8 =	sadd.s32 $0xFFFFE003, lr  }
0x1b: {  	s9 =	sadd.s32 $0xFFFFFEF7, lr;
	s5 =	simm.s32 $0xFFFFFFFF;
	p2 =	slt.u32 s8, $0xFFFFF086  }
0x1c: {  	p1 =	slt.u32 s9, $0xF7A;
	s5 =	simm.s32 @!p2 $0x0  }
0x1d: {  	s5 =	simm.s32 @p1 $0x1;
	p0 =	seq.s32 s7, s2  }
0x1e: {  	s7 =	smul.u32 @!p0 $0xF7A, s2;
	p2 =	seq.s32 @!p0 s5, $0x0  }
0x1f: {  	s9 =	smul.u32 $0xF7A, s1;
	s8 =	simm.s32 @!p0 $0x1BF5;
	p2 =	por !p2, p0  }
0x20: {  	[sflag:s8] =	ssyncset.s32 @!p0 $0xFFFFF086;
	s6 =	sadd.s32 @!p0 s3, s7;
	s7 =	simm.s32 @!p0 $0x108  }
0x21: {  	s3 =	sadd.s32 s3, s9;
	s6 =	sadd.s32 @!p0 $0x88, s6;
	s7 =	simm.s32 @p2 $0x1082  }
0x22: {  	[simem:s7], [sflag:s8] =	dma.local @!p0 [hbm:s6], $0xF7A  }
0x23: {  	s9 =	sor.u32 $0xD0000000, s2;
	s6 =	simm.s32 $0x108;
	_ =	swait.ge @!p0 [sflag:s8], $0x0  }
0x24: {  	s3 =	sadd.s32 $0x88, s3;
	s6 =	simm.s32 @!p1 $0x1082;
	[sflag:s4] =	ssyncset.s32 $0xFFFFF086  }
0x25: {  	[simem:s6], [sflag:s4] =	dma.local [hbm:s3], $0xF7A  }
0x26: {  	[smem:$0x3F9F] =	sst s1;
	(tag) =	ssettag s2;
	_ =	strace s9  }
0x27: {  	s1 =	sld [smem:$0x3FAF]  }
0x28: {  	s2 =	sld [smem:$0x3FB0]  }
0x29: {  	s4 =	sld [smem:$0x3FB2]  }
0x2a: {  	p0 =	seq.s32 s5, $0x0;
	s5 =	sld [smem:$0x3FB3]  }
0x2b: {  	s6 =	sld [smem:$0x3FB4]  }
0x2c: {  	s7 =	sld [smem:$0x3FB5]  }
0x2d: {  	s3 =	simm.s32 $0x108;
	s8 =	sld [smem:$0x3FB6]  }
0x2e: {  	s3 =	simm.s32 @!p0 $0x1082;
	s9 =	sld [smem:$0x3FB7]  }
0x2f: {  	lr =	sadd.s32 s0, s3;
	s0 =	sld [smem:$0x3FAE]  }
0x30: {  	s3 =	sld [smem:$0x3FB1]  }
0x31: {  	[smem:$0x3FBA] =	sst s10  }
0x32: {  	s10 =	sld [smem:$0x3FB8];
	_ =	sdelay $0x3  }
0x33: {  	p0 =	seq.s32 s10, $0x1;
	s10 =	sld [smem:$0x3FBA];
	_ =	sdelay $0x3  }
0x34: {  	[smem:$0x3FBA] =	sst s10  }
0x35: {  	s10 =	sld [smem:$0x3FB9];
	_ =	sdelay $0x3  }
0x36: {  	p1 =	seq.s32 s10, $0x1;
	s10 =	sld [smem:$0x3FBA];
	_ =	sdelay $0x3  }
0x37: {  	[smem:$0x3FBA] =	sst s10  }
0x38: {  	s10 =	sld [smem:$0x3FBB]  }
0x39: {  	_ = 	snop;
	(pc) =	sbr.ind lr, $3  }
0x3a: {  	_ = 	snop  }
0x3b: {  	_ = 	snop  }
0x3c: {  	p2 =	seq.s32 s10, $0x1;
	s10 =	sld [smem:$0x3FBA]  }
0x3d: {  	_ =	shalt  }
0x3e: {  	_ =	shalt  }
0x3f: {  	_ =	shalt  }
0x40: {  	_ =	shalt  }
0x41: {  	_ =	shalt  }
0x42: {  	_ =	shalt  }
0x43: {  	_ =	shalt  }
0x44: {  	_ =	shalt  }
0x45: {  	_ =	shalt  }
0x46: {  	_ =	shalt  }
0x47: {  	_ =	shalt  }
0x48: {  	_ =	shalt  }
0x49: {  	_ =	shalt  }
0x4a: {  	_ =	shalt  }
0x4b: {  	_ =	shalt  }
0x4c: {  	_ =	shalt  }
0x4d: {  	_ =	shalt  }
0x4e: {  	_ =	shalt  }
0x4f: {  	_ =	shalt  }
0x50: {  	_ =	shalt  }
0x51: {  	_ =	shalt  }
0x52: {  	_ =	shalt  }
0x53: {  	_ =	shalt  }
0x54: {  	_ =	shalt  }
0x55: {  	_ =	shalt  }
0x56: {  	_ =	shalt  }
0x57: {  	_ =	shalt  }
0x58: {  	_ =	shalt  }
0x59: {  	_ =	shalt  }
0x5a: {  	_ =	shalt  }
0x5b: {  	_ =	shalt  }
0x5c: {  	_ =	shalt  }
0x5d: {  	_ =	shalt  }
0x5e: {  	_ =	shalt  }
0x5f: {  	_ =	shalt  }
0x60: {  	_ =	shalt  }
0x61: {  	_ =	shalt  }
0x62: {  	_ =	shalt  }
0x63: {  	_ =	shalt  }
0x64: {  	_ =	shalt  }
0x65: {  	_ =	shalt  }
0x66: {  	_ =	shalt  }
0x67: {  	_ =	shalt  }
0x68: {  	_ =	shalt  }
0x69: {  	_ =	shalt  }
0x6a: {  	_ =	shalt  }
0x6b: {  	_ =	shalt  }
0x6c: {  	_ =	shalt  }
0x6d: {  	_ =	shalt  }
0x6e: {  	_ =	shalt  }
0x6f: {  	_ =	shalt  }
0x70: {  	_ =	shalt  }
0x71: {  	_ =	shalt  }
0x72: {  	_ =	shalt  }
0x73: {  	_ =	shalt  }
0x74: {  	_ =	shalt  }
0x75: {  	_ =	shalt  }
0x76: {  	_ =	shalt  }
0x77: {  	_ =	shalt  }
0x78: {  	_ =	shalt  }
0x79: {  	_ =	shalt  }
0x7a: {  	_ =	shalt  }
0x7b: {  	_ =	shalt  }
0x7c: {  	_ =	shalt  }
0x7d: {  	_ =	shalt  }
0x7e: {  	_ =	shalt  }
0x7f: {  	_ =	shalt  }
0x80: {  	_ =	shalt  }
0x81: {  	_ =	shalt  }
0x82: {  	_ =	shalt  }
0x83: {  	_ =	shalt  }
0x84: {  	_ =	shalt  }
0x85: {  	_ =	shalt  }
0x86: {  	_ =	shalt  }
0x87: {  	_ =	shalt  }
.Lfunc_end0:
.L_simem_size_0:
called_computation_lowered:
.L_overlay_start_0:
0x88: {  	s2 =	sld [smem:$0x3FD9]  }
0x89: {  	s3 =	sld [smem:$0x3FFE];
	_ =	sdelay $0x1  }
0x8a: {  	s1 =	srdreg.scid  }
0x8b: {  	s0 =	sand.u32 $0x1, s1  }
0x8c: {  	s14 =	sshll.u32 s0, $0xA;
	s2 =	sadd.s32 s3, s2  }
0x8d: {  	s2 =	sadd.s32 s2, s14  }
0x8e: {  	[smem:$0x3FC6] =	sst s2  }
0x8f: {  	_ = 	snop  }
0x90: {  	s2 =	sld [smem:$0x3FD0];
	_ =	sdelay $0x2  }
0x91: {  	s4 =	simm.s32 $0xA;
	s5 =	simm.s32 $0x10;
	s15 =	sld [smem:$0x3FC9]  }
0x92: {  	[smem:s5], [sflag:s4] =	dma.local [hbm:s2], $0x1  }
0x93: {  	_ =	swait.eq [sflag:s4], $0x1  }
0x94: {  	[sflag:s4] =	ssyncset.done $0x0  }
0x95: {  	s16 =	sld [smem:$0x10];
	[sflag:s4] =	ssyncadd.s32 $0xFFFFFFFF  }
0x96: {  	s17 =	sld [smem:$0x11];
	(tm) =	ssettm $0x1  }
0x97: {  	s18 =	sld [smem:$0x3FFB];
	_ =	sdelay $0x3  }
0x98: {  	_ =	strace s18  }
0x99: {  	s5 =	sld [smem:$0x3FFC];
	_ =	sdelay $0x3  }
0x9a: {  	_ =	strace s5  }
0x9b: {  	s5 =	sld [smem:$0x3FFD];
	_ =	sdelay $0x3  }
0x9c: {  	_ =	strace s5  }
0x9d: {  	_ =	strace $0x8FFFFFFF  }
0x9e: {  	s19 =	sld [smem:$0x3FDB];
	_ =	sdelay $0x1  }
0x9f: {  	s6 =	simm.s32 $_scs_section_size  }
0xa0: {  	s7 =	simm.s32 $_size__tile_overlayer_lowered;
	s8 =	simm.s32 $_tile_overlayer_lowered  }
0xa1: {  	s22 =	simm.s32 $0x1BFF;
	s21 =	sshll.u32 s8, $0x1;
	s5 =	sadd.s32 s6, s19  }
0xa2: {  	s9 =	simm.s32 $0x0;
	s20 =	sshll.u32 s7, $0x1;
	s7 =	sadd.s32 s21, s5  }
0xa3: {  	[timem:s9], [sflag:s22] =	dma.local [hbm:s7], s20  }
0xa4: {  	_ =	swait.ge [sflag:s22], s20  }
0xa5: {  	s6 =	ssub.s32 $0x0, s20;
	[sflag:s22] =	ssyncset.done $0x0  }
0xa6: {  	[sflag:s22] =	ssyncadd.s32 s6;
	_ =	sdelay $0x1  }
0xa7: {  	s23 =	simm.s32 $0x1B8B  }
0xa8: {  	_ =	swait.ge [sflag:s23], $0x1  }
0xa9: {  	[sflag:s23] =	ssyncset.done $0x0  }
0xaa: {  	s25 =	simm.s32 $0x1B8E;
	s24 =	sld [smem:$0x3FFE];
	[sflag:s23] =	ssyncadd.s32 $0xFFFFFFFF  }
0xab: {  	s26 =	simm.s32 $execute0_lowered;
	[smem:$0x3FD2] =	sst s25  }
0xac: {  	s7 =	sshll.u32 s26, $0x1;
	_ =	strace $0x80000046;
	[dreg:$0x1] =	wrdreg $0xFFFFFFFF  }
0xad: {  	s28 =	simm.s32 $_size_execute0_lowered;
	s5 =	sadd.s32 s5, s7;
	[dreg:$0x0] =	wrdreg $0x0  }
0xae: {  	s7 =	sshll.u32 s28, $0x1;
	[dreg:$0x2] =	wrdreg s5  }
0xaf: {  	[dreg:$0x3] =	wrdreg s7  }
0xb0: {  	[dreg:$0x4] =	wrdreg $0xC0  }
0xb1: {  	_ =	task [dreg:s9], $0x5FFFF  }
0xb2: {  	[dreg:$0x1] =	wrdreg $0xFFFFFFFF  }
0xb3: {  	[dreg:$0x0] =	wrdreg $0x60  }
0xb4: {  	[dreg:$0x2] =	wrdreg s15  }
0xb5: {  	[dreg:$0x3] =	wrdreg s17  }
0xb6: {  	[dreg:$0x4] =	wrdreg s16  }
0xb7: {  	[dreg:$0x5] =	wrdreg s24  }
0xb8: {  	[dreg:$0x6] =	wrdreg $0x9  }
0xb9: {  	_ =	task.clear_ibuf [dreg:s9], $0x7FFFF;
	_ =	strace $0x90000046  }
0xba: {  	s29 =	simm.s32 $0x9;
	_ =	strace $0x80000048  }
0xbb: {  	_ =	swait.ge [sflag:s29], $0x1  }
0xbc: {  	[sflag:s29] =	ssyncadd.s32 $0xFFFFFFFF  }
0xbd: {  	_ =	strace $0x90000048  }
0xbe: {  	_ =	sfence  }
0xbf: {  	s30 =	sld [smem:$0x0];
	_ =	sdelay $0x2  }
0xc0: {  	s31 =	sshll.u32 s1, $0xD;
	s1 =	sshrl.u32 s1, $0x2  }
0xc1: {  	s3 =	sand.u32 $0x4000, s31;
	s1 =	sadd.s32 s1, s30  }
0xc2: {  	s0 =	sor.u32 s3, s0;
	s1 =	sshll.u32 s1, $0x11  }
0xc3: {  	s0 =	sor.u32 s1, s0  }
0xc4: {  	s0 =	sadd.s32 $0x8F2B, s0  }
0xc5: {  	[sflag:s0] =	ssyncadd.remote.s32 $0x1  }
0xc6: {  	_ =	sfence.sel $0xFFFF  }
0xc7: {  	[dreg:$0x0] =	wrdreg $0xFFFFFFFF;
	(pc) =	sbr.abs _section_cstart, $3  }
0xc8: {  	[dreg:$0x1] =	wrdreg $0xFFFFFFFF  }
0xc9: {  	_ =	task.clear_ibuf [dreg:s9], $0x2FFFF;
	_ =	strace $0x9FFFFFFF  }
0xca: {  	(tm) =	ssettm $0x7FFFFFFF  }
0xcb: {  	_ =	shalt  }
tec
execute0_lowered:
.L_overlay_start_1:
0x0: {  	(tag) =	ssettag $0x1  }
0x1: {  	s3 =	rddreg [dreg:$0x0]  }
0x2: {  	s4 =	rddreg [dreg:$0x1]  }
0x3: {  	s5 =	rddreg [dreg:$0x2];
	s1 =	srdreg.scid  }
0x4: {  	s0 =	stileid.u32;
	s6 =	rddreg [dreg:$0x3]  }
0x5: {  	s2 =	simm.s32 $0x0;
	s7 =	sand.u32 $0x1, s1;
	s8 =	sshll.u32 s0, $0x1  }
0x6: {  	p1 =	por $0x0, $0x0;
	s1 =	rddreg [dreg:$0x4];
	s17 =	sor.u32 s7, s8  }
0x7: {  	[smem:$0x7FF] =	sst s2;
	s7 =	ssub.s32 $0x2, s7;
	s8 =	smul.u32 $0x1900, s17  }
0x8: {  	s6 =	sadd.s32 $0x800, s6;
	s9 =	sshrl.u32 s7, $0x1;
	s10 =	smul.u32 $0x7D00, s17  }
0x9: {  	_ =	strace $0x80000047;
	s26 =	smul.u32 $0xFA0, s17;
	s7 =	ssub.s32 s7, s9  }
0xa: {  	p0 =	sgt.u32 s17, $0x18;
	s16 =	sadd.s32 s3, s8;
	s18 =	smax.u32 s7, $0x1  }
0xb: {  	s15 =	sadd.s32 s5, s8;
	s28 =	sshrl.u32 s10, $0x3;
	s19 =	sadd.s32 $0xFFFFFFFF, s18  }
0xc: {  	s14 =	sadd.s32 s4, s26;
	s13 =	sadd.s32 s6, s26;
	p2 =	sne.s32 s19, $0x0  }
.Ltmp0:
0xd: {  	s29 =	sadd.s32 $0x1F400, s28;
	s30 =	sadd.s32 $0x3E800, s28;
	(pc) =	sbr.rel @!p2 .LBB2_3-.Ltmp0, $4  }
0xe: {  	s31 =	sadd.s32 $0x5DC00, s28;
	s3 =	sadd.s32 $0x7D000, s28;
	s12 =	sadd.s32 s4, s29  }
0xf: {  	s11 =	sadd.s32 s6, s29;
	s10 =	sadd.s32 s4, s30;
	s9 =	sadd.s32 s6, s30  }
0x10: {  	s8 =	sadd.s32 s4, s31;
	s7 =	sadd.s32 s6, s31;
	s5 =	sadd.s32 s4, s3  }
0x11: {  	s3 =	sadd.s32 s6, s3;
	s6 =	simm.s32 $0xC800;
	s4 =	simm.s32 $0x1  }
0x12: {  	s17 =	simm.s32 @!p0 $0x0;
	s18 =	simm.s32 @!p0 $0x1  }
0x13: {  	[tilespmem:s17], [sflag:$0x1] =	stream.linear.gather @!p0 [hbm4b:s16+s17], $0xC800, $0x38;
	[tilespmem:$0x14500] =	vst v63  }
0x14: {  	_ =	swait.ge @!p0 [sflag:s18], $0xC800  }
0x15: {  	[sflag:s18] =	ssyncset.done @!p0 $0x0  }
0x16: {  	[sflag:s18] =	ssyncadd.s32 @!p0 $0xFFFF3800  }
0x17: {  	[hbm4b:s15+s17] =	stream.linear.scatter @!p0 [tilespmem:s17], [sflag:$0x1], $0xC800, $0x38;
	[tilespmem:$0x14500] =	vst v63  }
0x18: {  	_ =	swait.ge @!p0 [sflag:s18], $0xC800  }
0x19: {  	[sflag:s18] =	ssyncset.done @!p0 $0x0  }
0x1a: {  	[sflag:s18] =	ssyncadd.s32 @!p0 $0xFFFF3800  }
0x1b: {  	[tilespmem:s6], [sflag:$0x1] =	stream.linear.gather [hbm4b:s14+s2], $0x7D00, $0x38;
	[tilespmem:$0x14500] =	vst v63  }
0x1c: {  	_ =	swait.ge [sflag:s4], $0x7D00  }
0x1d: {  	[sflag:s4] =	ssyncset.done $0x0  }
0x1e: {  	[sflag:s4] =	ssyncadd.s32 $0xFFFF8300  }
0x1f: {  	[hbm4b:s13+s2] =	stream.linear.scatter [tilespmem:s6], [sflag:$0x1], $0x7D00, $0x38;
	[tilespmem:$0x14500] =	vst v63  }
0x20: {  	_ =	swait.ge [sflag:s4], $0x7D00  }
0x21: {  	[sflag:s4] =	ssyncset.done $0x0  }
0x22: {  	[sflag:s4] =	ssyncadd.s32 $0xFFFF8300  }
0x23: {  	[tilespmem:s6], [sflag:$0x1] =	stream.linear.gather [hbm4b:s12+s2], $0x7D00, $0x38;
	[tilespmem:$0x14500] =	vst v63  }
0x24: {  	_ =	swait.ge [sflag:s4], $0x7D00  }
0x25: {  	[sflag:s4] =	ssyncset.done $0x0  }
0x26: {  	[sflag:s4] =	ssyncadd.s32 $0xFFFF8300  }
0x27: {  	[hbm4b:s11+s2] =	stream.linear.scatter [tilespmem:s6], [sflag:$0x1], $0x7D00, $0x38;
	[tilespmem:$0x14500] =	vst v63  }
0x28: {  	_ =	swait.ge [sflag:s4], $0x7D00  }
0x29: {  	[sflag:s4] =	ssyncset.done $0x0  }
0x2a: {  	[sflag:s4] =	ssyncadd.s32 $0xFFFF8300  }
0x2b: {  	[tilespmem:s6], [sflag:$0x1] =	stream.linear.gather [hbm4b:s10+s2], $0x7D00, $0x38;
	[tilespmem:$0x14500] =	vst v63  }
0x2c: {  	_ =	swait.ge [sflag:s4], $0x7D00  }
0x2d: {  	[sflag:s4] =	ssyncset.done $0x0  }
0x2e: {  	[sflag:s4] =	ssyncadd.s32 $0xFFFF8300  }
0x2f: {  	[hbm4b:s9+s2] =	stream.linear.scatter [tilespmem:s6], [sflag:$0x1], $0x7D00, $0x38;
	[tilespmem:$0x14500] =	vst v63  }
0x30: {  	_ =	swait.ge [sflag:s4], $0x7D00  }
0x31: {  	[sflag:s4] =	ssyncset.done $0x0  }
0x32: {  	[sflag:s4] =	ssyncadd.s32 $0xFFFF8300  }
0x33: {  	[tilespmem:s6], [sflag:$0x1] =	stream.linear.gather [hbm4b:s8+s2], $0x7D00, $0x38;
	[tilespmem:$0x14500] =	vst v63  }
0x34: {  	_ =	swait.ge [sflag:s4], $0x7D00  }
0x35: {  	[sflag:s4] =	ssyncset.done $0x0  }
0x36: {  	[sflag:s4] =	ssyncadd.s32 $0xFFFF8300  }
0x37: {  	[hbm4b:s7+s2] =	stream.linear.scatter [tilespmem:s6], [sflag:$0x1], $0x7D00, $0x38;
	[tilespmem:$0x14500] =	vst v63  }
0x38: {  	_ =	swait.ge [sflag:s4], $0x7D00  }
0x39: {  	[sflag:s4] =	ssyncset.done $0x0  }
0x3a: {  	s19 =	sadd.s32 $0xFFFFFFFF, s19;
	[sflag:s4] =	ssyncadd.s32 $0xFFFF8300  }
0x3b: {  	[tilespmem:s6], [sflag:$0x1] =	stream.linear.gather [hbm4b:s5+s2], $0x7D00, $0x38;
	[tilespmem:$0x14500] =	vst v63  }
0x3c: {  	p2 =	sne.s32 s19, $0x0;
	_ =	swait.ge [sflag:s4], $0x7D00  }
.Ltmp1:
0x3d: {  	[sflag:s4] =	ssyncset.done $0x0;
	(pc) =	sbr.rel @!p2 .LBB2_3-.Ltmp1, $4  }
0x3e: {  	[sflag:s4] =	ssyncadd.s32 $0xFFFF8300  }
0x3f: {  	[hbm4b:s3+s2] =	stream.linear.scatter [tilespmem:s6], [sflag:$0x1], $0x7D00, $0x38;
	[tilespmem:$0x14500] =	vst v63  }
0x40: {  	_ =	swait.ge [sflag:s4], $0x7D00  }
0x41: {  	p1 =	por $0x1, $0x1;
	[sflag:s4] =	ssyncset.done $0x0  }
.LBB2_2:
0x42: {  	[sflag:s4] =	ssyncadd.s32 $0xFFFF8300  }
0x43: {  	[tilespmem:s17], [sflag:$0x1] =	stream.linear.gather @!p0 [hbm4b:s16+s17], $0xC800, $0x38;
	[tilespmem:$0x14500] =	vst v63  }
0x44: {  	s19 =	sadd.s32 $0xFFFFFFFF, s19;
	_ =	swait.ge @!p0 [sflag:s18], $0xC800  }
0x45: {  	p2 =	sne.s32 s19, $0x0;
	[sflag:s18] =	ssyncset.done @!p0 $0x0  }
0x46: {  	[sflag:s18] =	ssyncadd.s32 @!p0 $0xFFFF3800  }
0x47: {  	[hbm4b:s15+s17] =	stream.linear.scatter @!p0 [tilespmem:s17], [sflag:$0x1], $0xC800, $0x38;
	[tilespmem:$0x14500] =	vst v63  }
0x48: {  	_ =	swait.ge @!p0 [sflag:s18], $0xC800  }
0x49: {  	[sflag:s18] =	ssyncset.done @!p0 $0x0  }
0x4a: {  	[sflag:s18] =	ssyncadd.s32 @!p0 $0xFFFF3800  }
0x4b: {  	[tilespmem:s6], [sflag:$0x1] =	stream.linear.gather [hbm4b:s14+s2], $0x7D00, $0x38;
	[tilespmem:$0x14500] =	vst v63  }
0x4c: {  	_ =	swait.ge [sflag:s4], $0x7D00  }
0x4d: {  	[sflag:s4] =	ssyncset.done $0x0  }
0x4e: {  	[sflag:s4] =	ssyncadd.s32 $0xFFFF8300  }
0x4f: {  	[hbm4b:s13+s2] =	stream.linear.scatter [tilespmem:s6], [sflag:$0x1], $0x7D00, $0x38;
	[tilespmem:$0x14500] =	vst v63  }
0x50: {  	_ =	swait.ge [sflag:s4], $0x7D00  }
0x51: {  	[sflag:s4] =	ssyncset.done $0x0  }
0x52: {  	[sflag:s4] =	ssyncadd.s32 $0xFFFF8300  }
0x53: {  	[tilespmem:s6], [sflag:$0x1] =	stream.linear.gather [hbm4b:s12+s2], $0x7D00, $0x38;
	[tilespmem:$0x14500] =	vst v63  }
0x54: {  	_ =	swait.ge [sflag:s4], $0x7D00  }
0x55: {  	[sflag:s4] =	ssyncset.done $0x0  }
0x56: {  	[sflag:s4] =	ssyncadd.s32 $0xFFFF8300  }
0x57: {  	[hbm4b:s11+s2] =	stream.linear.scatter [tilespmem:s6], [sflag:$0x1], $0x7D00, $0x38;
	[tilespmem:$0x14500] =	vst v63  }
0x58: {  	_ =	swait.ge [sflag:s4], $0x7D00  }
0x59: {  	[sflag:s4] =	ssyncset.done $0x0  }
0x5a: {  	[sflag:s4] =	ssyncadd.s32 $0xFFFF8300  }
0x5b: {  	[tilespmem:s6], [sflag:$0x1] =	stream.linear.gather [hbm4b:s10+s2], $0x7D00, $0x38;
	[tilespmem:$0x14500] =	vst v63  }
0x5c: {  	_ =	swait.ge [sflag:s4], $0x7D00  }
0x5d: {  	[sflag:s4] =	ssyncset.done $0x0  }
0x5e: {  	[sflag:s4] =	ssyncadd.s32 $0xFFFF8300  }
0x5f: {  	[hbm4b:s9+s2] =	stream.linear.scatter [tilespmem:s6], [sflag:$0x1], $0x7D00, $0x38;
	[tilespmem:$0x14500] =	vst v63  }
0x60: {  	_ =	swait.ge [sflag:s4], $0x7D00  }
0x61: {  	[sflag:s4] =	ssyncset.done $0x0  }
0x62: {  	[sflag:s4] =	ssyncadd.s32 $0xFFFF8300  }
0x63: {  	[tilespmem:s6], [sflag:$0x1] =	stream.linear.gather [hbm4b:s8+s2], $0x7D00, $0x38;
	[tilespmem:$0x14500] =	vst v63  }
0x64: {  	_ =	swait.ge [sflag:s4], $0x7D00  }
0x65: {  	[sflag:s4] =	ssyncset.done $0x0  }
0x66: {  	[sflag:s4] =	ssyncadd.s32 $0xFFFF8300  }
0x67: {  	[hbm4b:s7+s2] =	stream.linear.scatter [tilespmem:s6], [sflag:$0x1], $0x7D00, $0x38;
	[tilespmem:$0x14500] =	vst v63  }
0x68: {  	_ =	swait.ge [sflag:s4], $0x7D00  }
0x69: {  	[sflag:s4] =	ssyncset.done $0x0  }
0x6a: {  	[sflag:s4] =	ssyncadd.s32 $0xFFFF8300  }
0x6b: {  	[tilespmem:s6], [sflag:$0x1] =	stream.linear.gather [hbm4b:s5+s2], $0x7D00, $0x38;
	[tilespmem:$0x14500] =	vst v63  }
0x6c: {  	_ =	swait.ge [sflag:s4], $0x7D00  }
.Ltmp2:
0x6d: {  	[sflag:s4] =	ssyncset.done $0x0;
	(pc) =	sbr.rel @p2 .LBB2_2-.Ltmp2, $4  }
0x6e: {  	[sflag:s4] =	ssyncadd.s32 $0xFFFF8300  }
0x6f: {  	[hbm4b:s3+s2] =	stream.linear.scatter [tilespmem:s6], [sflag:$0x1], $0x7D00, $0x38;
	[tilespmem:$0x14500] =	vst v63  }
0x70: {  	_ =	swait.ge [sflag:s4], $0x7D00  }
0x71: {  	[sflag:s4] =	ssyncset.done $0x0  }
.LBB2_3:
0x72: {  	s17 =	simm.s32 @!p0 $0x0;
	s18 =	simm.s32 @!p0 $0x1;
	[sflag:s4] =	ssyncadd.s32 @p1 $0xFFFF8300  }
0x73: {  	[tilespmem:s17], [sflag:$0x1] =	stream.linear.gather @!p0 [hbm4b:s16+s17], $0xC800, $0x38;
	[tilespmem:$0x14500] =	vst v63  }
0x74: {  	_ =	swait.ge @!p0 [sflag:s18], $0xC800  }
0x75: {  	[sflag:s18] =	ssyncset.done @!p0 $0x0  }
0x76: {  	[sflag:s18] =	ssyncadd.s32 @!p0 $0xFFFF3800  }
0x77: {  	[hbm4b:s15+s17] =	stream.linear.scatter @!p0 [tilespmem:s17], [sflag:$0x1], $0xC800, $0x38;
	[tilespmem:$0x14500] =	vst v63  }
0x78: {  	_ =	swait.ge @!p0 [sflag:s18], $0xC800  }
0x79: {  	[sflag:s18] =	ssyncset.done @!p0 $0x0  }
0x7a: {  	[sflag:s18] =	ssyncadd.s32 @!p0 $0xFFFF3800  }
0x7b: {  	[tilespmem:s6], [sflag:$0x1] =	stream.linear.gather [hbm4b:s14+s2], $0x7D00, $0x38;
	[tilespmem:$0x14500] =	vst v63  }
0x7c: {  	_ =	swait.ge [sflag:s4], $0x7D00  }
0x7d: {  	[sflag:s4] =	ssyncset.done $0x0  }
0x7e: {  	[sflag:s4] =	ssyncadd.s32 $0xFFFF8300  }
0x7f: {  	[hbm4b:s13+s2] =	stream.linear.scatter [tilespmem:s6], [sflag:$0x1], $0x7D00, $0x38;
	[tilespmem:$0x14500] =	vst v63  }
0x80: {  	_ =	swait.ge [sflag:s4], $0x7D00  }
0x81: {  	[sflag:s4] =	ssyncset.done $0x0  }
0x82: {  	[sflag:s4] =	ssyncadd.s32 $0xFFFF8300  }
0x83: {  	[tilespmem:s6], [sflag:$0x1] =	stream.linear.gather [hbm4b:s12+s2], $0x7D00, $0x38;
	[tilespmem:$0x14500] =	vst v63  }
0x84: {  	_ =	swait.ge [sflag:s4], $0x7D00  }
0x85: {  	[sflag:s4] =	ssyncset.done $0x0  }
0x86: {  	[sflag:s4] =	ssyncadd.s32 $0xFFFF8300  }
0x87: {  	[hbm4b:s11+s2] =	stream.linear.scatter [tilespmem:s6], [sflag:$0x1], $0x7D00, $0x38;
	[tilespmem:$0x14500] =	vst v63  }
0x88: {  	_ =	swait.ge [sflag:s4], $0x7D00  }
0x89: {  	[sflag:s4] =	ssyncset.done $0x0  }
0x8a: {  	[sflag:s4] =	ssyncadd.s32 $0xFFFF8300  }
0x8b: {  	[tilespmem:s6], [sflag:$0x1] =	stream.linear.gather [hbm4b:s10+s2], $0x7D00, $0x38;
	[tilespmem:$0x14500] =	vst v63  }
0x8c: {  	_ =	swait.ge [sflag:s4], $0x7D00  }
0x8d: {  	[sflag:s4] =	ssyncset.done $0x0  }
0x8e: {  	[sflag:s4] =	ssyncadd.s32 $0xFFFF8300  }
0x8f: {  	[hbm4b:s9+s2] =	stream.linear.scatter [tilespmem:s6], [sflag:$0x1], $0x7D00, $0x38;
	[tilespmem:$0x14500] =	vst v63  }
0x90: {  	_ =	swait.ge [sflag:s4], $0x7D00  }
0x91: {  	[sflag:s4] =	ssyncset.done $0x0  }
0x92: {  	[sflag:s4] =	ssyncadd.s32 $0xFFFF8300  }
0x93: {  	[tilespmem:s6], [sflag:$0x1] =	stream.linear.gather [hbm4b:s8+s2], $0x7D00, $0x38;
	[tilespmem:$0x14500] =	vst v63  }
0x94: {  	_ =	swait.ge [sflag:s4], $0x7D00  }
0x95: {  	[sflag:s4] =	ssyncset.done $0x0  }
0x96: {  	[sflag:s4] =	ssyncadd.s32 $0xFFFF8300  }
0x97: {  	[hbm4b:s7+s2] =	stream.linear.scatter [tilespmem:s6], [sflag:$0x1], $0x7D00, $0x38;
	[tilespmem:$0x14500] =	vst v63  }
0x98: {  	_ =	swait.ge [sflag:s4], $0x7D00  }
0x99: {  	[sflag:s4] =	ssyncset.done $0x0  }
0x9a: {  	[sflag:s4] =	ssyncadd.s32 $0xFFFF8300  }
0x9b: {  	[tilespmem:s6], [sflag:$0x1] =	stream.linear.gather [hbm4b:s5+s2], $0x7D00, $0x38;
	[tilespmem:$0x14500] =	vst v63  }
0x9c: {  	_ =	swait.ge [sflag:s4], $0x7D00  }
0x9d: {  	[sflag:s4] =	ssyncset.done $0x0  }
0x9e: {  	[sflag:s4] =	ssyncadd.s32 $0xFFFF8300  }
0x9f: {  	[hbm4b:s3+s2] =	stream.linear.scatter [tilespmem:s6], [sflag:$0x1], $0x7D00, $0x38;
	[tilespmem:$0x14500] =	vst v63  }
0xa0: {  	_ =	swait.ge [sflag:s4], $0x7D00  }
0xa1: {  	[sflag:s4] =	ssyncset.done $0x0  }
0xa2: {  	[sflag:s4] =	ssyncadd.s32 $0xFFFF8300  }
0xa3: {  	_ =	sfence.sel $0x180000  }
0xa4: {  	[bflag:$0x0] =	sbarrier.arrive $0xFFFF  }
0xa5: {  	p0 =	sne.s32 s0, $0x0;
	_ =	strace $0x90000047  }
0xa6: {  	s0 =	sadd.s32 @!p0 $0x100000, s1;
	[bflag:$0x2] =	sbarrier.arrive $0xFFFF  }
0xa7: {  	[sflag:s0] =	ssyncadd.tile.s32 @!p0 $0x1;
	_ =	shalt  }
.Lfunc_end2:
_tile_overlayer_lowered:
.L_overlay_start_2:
0xa8: {  	(tag) =	ssettag $0x2  }
0xa9: {  	s0 =	rddreg [dreg:$0x0];
	s2 =	stileid.u32  }
0xaa: {  	s1 =	rddreg [dreg:$0x1];
	p0 =	sne.s32 s2, $0x0  }
0xab: {  	s3 =	rddreg [dreg:$0x2];
	[bflag:$0x3] =	sbarrier.arrive $0xFFFF;
	s2 =	simm.s32 @!p0 $0x1C01  }
0xac: {  	[timem:s3], [sflag:s2] =	dma.local @!p0 [hbm:s0], s1  }
0xad: {  	s0 =	simm.s32 @!p0 $0x1  }
0xae: {  	_ =	swait.ge @!p0 [sflag:s0], s1  }
0xaf: {  	s1 =	ssub.s32 @!p0 $0x0, s1;
	[sflag:s0] =	ssyncset.done @!p0 $0x0  }
0xb0: {  	[sflag:s0] =	ssyncadd.s32 @!p0 s1  }
0xb1: {  	[bflag:$0x3] =	sbarrier.arrive $0xFFFF  }
0xb2: {  	_ =	shalt  }

</sc_bundles>
